<compile_context>
chip_gen: v7x
topology: tpu7x:2x2x1
jax: 0.10.2.dev20260603
libtpu: 0.0.44.dev20260713+nightly
codegen_flags: <defaults>
</compile_context>

<pallas_src>
import functools

import jax
import jax.numpy as jnp
from jax.experimental import pallas as pl
from jax.experimental.pallas import tpu as pltpu

N = 50000
R1, R2 = 0.2, 0.4
KNEI = 64
M1, M2 = 10000, 2500
OUT_DIM = 3
CHUNK = 500



def _fps_body(n_samples, n_valid, px_ref, py_ref, pz_ref, out_ref, dist_ref):
    Rr, Ll = px_ref.shape
    rows = jax.lax.broadcasted_iota(jnp.int32, (Rr, Ll), 0)
    cols = jax.lax.broadcasted_iota(jnp.int32, (Rr, Ll), 1)
    flat = rows * Ll + cols
    valid = flat < n_valid

    px0 = px_ref[0, 0]
    py0 = py_ref[0, 0]
    pz0 = pz_ref[0, 0]
    d0 = (px_ref[...] - px0) ** 2 + (py_ref[...] - py0) ** 2 + (pz_ref[...] - pz0) ** 2
    dist_ref[...] = jnp.where(valid, d0, -1.0)
    out_ref[pl.ds(0, 1), :] = jnp.zeros((1, 1), jnp.int32)

    def body(i, carry):
        dist = dist_ref[...]
        m = jnp.max(dist)
        nxt = jnp.min(jnp.where(dist == m, flat, jnp.int32(2**31 - 1)))
        out_ref[pl.ds(i, 1), :] = jnp.full((1, 1), nxt, jnp.int32)
        sel = flat == nxt
        px = jnp.sum(jnp.where(sel, px_ref[...], 0.0))
        py = jnp.sum(jnp.where(sel, py_ref[...], 0.0))
        pz = jnp.sum(jnp.where(sel, pz_ref[...], 0.0))
        nd = (px_ref[...] - px) ** 2 + (py_ref[...] - py) ** 2 + (pz_ref[...] - pz) ** 2
        dist_ref[...] = jnp.minimum(dist, nd)
        return carry

    jax.lax.fori_loop(1, n_samples, body, 0)


def _fps_pallas(pos, n_samples):
    n = pos.shape[0]
    Ll = 128
    Rr = -(-n // Ll)
    Rr = -(-Rr // 8) * 8
    pad = Rr * Ll - n
    px = jnp.pad(pos[:, 0], (0, pad), constant_values=1e9).reshape(Rr, Ll)
    py = jnp.pad(pos[:, 1], (0, pad), constant_values=1e9).reshape(Rr, Ll)
    pz = jnp.pad(pos[:, 2], (0, pad), constant_values=1e9).reshape(Rr, Ll)
    out = pl.pallas_call(
        functools.partial(_fps_body, n_samples, n),
        out_shape=jax.ShapeDtypeStruct((n_samples, 1), jnp.int32),
        scratch_shapes=[pltpu.VMEM((Rr, Ll), jnp.float32)],
    )(px, py, pz)
    return out[:, 0]



def _mlp_j(h, params):
    n = len(params)
    for i, (W, b) in enumerate(params):
        h = h @ W + b
        if i < n - 1:
            h = jax.nn.relu(h)
    return h


def _knn_j(q, src, k, chunk):
    M = q.shape[0]
    qc = q.reshape(M // chunk, chunk, q.shape[1])

    def f(qb):
        d2 = jnp.sum((qb[:, None, :] - src[None, :, :]) ** 2, axis=-1)
        negv, idx = jax.lax.top_k(-d2, k)
        return (-negv, idx)

    d2s, idxs = jax.lax.map(f, qc)
    return d2s.reshape(M, k), idxs.reshape(M, k)


def _sa_conv_j(x, pos, q_idx, nbr_idx, mask, params):
    q_pos = pos[q_idx]
    x_j = x[nbr_idx]
    rel = pos[nbr_idx] - q_pos[:, None, :]
    h = _mlp_j(jnp.concatenate([x_j, rel], axis=-1), params)
    h = jnp.where(mask[..., None], h, -1e30)
    return jnp.max(h, axis=1)


def _interp_j(x_src, pos_src, pos_q, nbr_idx):
    d2 = jnp.sum((pos_q[:, None, :] - pos_src[nbr_idx]) ** 2, axis=-1)
    w = 1.0 / jnp.maximum(d2, 1e-16)
    num = jnp.sum(w[..., None] * x_src[nbr_idx], axis=1)
    return num / jnp.sum(w, axis=1, keepdims=True)


def kernel(x, pos, batch,
           sa1_W1, sa1_b1, sa1_W2, sa1_b2,
           sa2_W1, sa2_b1, sa2_W2, sa2_b2,
           sa3_W1, sa3_b1, sa3_W2, sa3_b2,
           fp3_W1, fp3_b1, fp3_W2, fp3_b2,
           fp2_W1, fp2_b1, fp2_W2, fp2_b2,
           fp1_W1, fp1_b1, fp1_W2, fp1_b2, fp1_W3, fp1_b3,
           mlp_W1, mlp_b1, mlp_W2, mlp_b2, mlp_W3, mlp_b3):
    wd = {k: v for k, v in locals().items() if k not in ('x', 'pos', 'batch')}
    P = lambda n, L: [(wd[n + '_W' + str(j)], wd[n + '_b' + str(j)]) for j in range(1, L + 1)]

    idx1 = _fps_pallas(pos, M1)
    pos1 = pos[idx1]
    nbr1 = jnp.zeros((M1, KNEI), jnp.int32)
    mask1 = jnp.ones((M1, KNEI), bool)
    idx2 = _fps_pallas(pos1, M2)
    pos2 = pos1[idx2]
    d2b, nbr2 = _knn_j(pos2, pos1, KNEI, CHUNK)
    mask2 = d2b <= R2 * R2
    k2 = _knn_j(pos1, pos2, 3, CHUNK)[1]
    k1 = jnp.zeros((N, 3), jnp.int32)

    x1 = _sa_conv_j(x, pos, idx1, nbr1, mask1, P('sa1', 2))
    x2 = _sa_conv_j(x1, pos1, idx2, nbr2, mask2, P('sa2', 2))
    h = _mlp_j(jnp.concatenate([x2, pos2], axis=-1), P('sa3', 2))
    xg = jnp.max(h, axis=0, keepdims=True)
    posg = jnp.zeros((1, 3), dtype=pos.dtype)
    xi = _interp_j(xg, posg, pos2, jnp.zeros((M2, 1), dtype=jnp.int32))
    xf = _mlp_j(jnp.concatenate([xi, x2], axis=-1), P('fp3', 2))
    xi = _interp_j(xf, pos2, pos1, k2)
    xf = _mlp_j(jnp.concatenate([xi, x1], axis=-1), P('fp2', 2))
    xi = _interp_j(xf, pos1, pos, k1)
    xf = _mlp_j(jnp.concatenate([xi, x], axis=-1), P('fp1', 3))
    return _mlp_j(xf, P('mlp', 3))

# --- scband reference (transcript-rebuilt; emitter-appended) ---
"""Pipeline reference for scband-point-net2-5274219839803 (READ-ONLY COPY).

The authoritative reference and input builder live on the scoring server;
editing this copy changes nothing except your own understanding.
"""

import jax, jax.numpy as jnp
import numpy as np

N = 50000
R1, R2 = 0.2, 0.4
KNEI = 64
M1, M2 = 10000, 2500
OUT_DIM = 3
CHUNK = 500

_DIMS = {'sa1': [4, 32, 32], 'sa2': [35, 32, 64], 'sa3': [67, 64, 64], 'fp3': [128, 64, 64], 'fp2': [96, 32, 32], 'fp1': [33, 32, 32, 32], 'mlp': [32, 32, 32, OUT_DIM]}


def _mlp(h, params):
    n = len(params)
    for i, (W, b) in enumerate(params):
        h = h @ W + b
        if i < n - 1:
            h = jax.nn.relu(h)
    return h


def _fps(pos, n_samples):
    d0 = jnp.sum((pos - pos[0]) ** 2, axis=-1)
    idx0 = jnp.zeros((n_samples,), dtype=jnp.int32)
    def body(i, carry):
        dist, idx = carry
        nxt = jnp.argmax(dist).astype(jnp.int32)
        idx = idx.at[i].set(nxt)
        dist = jnp.minimum(dist, jnp.sum((pos - pos[nxt]) ** 2, axis=-1))
        return (dist, idx)
    _, idx = jax.lax.fori_loop(1, n_samples, body, (d0, idx0))
    return idx


def _knn(q, src, k, chunk):
    M = q.shape[0]
    qc = q.reshape(M // chunk, chunk, q.shape[1])
    def f(qb):
        d2 = jnp.sum((qb[:, None, :] - src[None, :, :]) ** 2, axis=-1)
        negv, idx = jax.lax.top_k(-d2, k)
        return (-negv, idx)
    d2s, idxs = jax.lax.map(f, qc)
    return d2s.reshape(M, k), idxs.reshape(M, k)


def _sa_conv(x, pos, q_idx, nbr_idx, mask, params):
    q_pos = pos[q_idx]
    x_j = x[nbr_idx]
    rel = pos[nbr_idx] - q_pos[:, None, :]
    h = _mlp(jnp.concatenate([x_j, rel], axis=-1), params)
    h = jnp.where(mask[..., None], h, -1e30)
    return jnp.max(h, axis=1)


def _interp(x_src, pos_src, pos_q, nbr_idx):
    d2 = jnp.sum((pos_q[:, None, :] - pos_src[nbr_idx]) ** 2, axis=-1)
    w = 1.0 / jnp.maximum(d2, 1e-16)
    num = jnp.sum(w[..., None] * x_src[nbr_idx], axis=1)
    return num / jnp.sum(w, axis=1, keepdims=True)


def _structures(pos):
    idx1 = _fps(pos, M1)
    pos1 = pos[idx1]
    d2a, nbr1 = _knn(pos1, pos, KNEI, CHUNK)
    mask1 = d2a <= R1 * R1
    idx2 = _fps(pos1, M2)
    pos2 = pos1[idx2]
    d2b, nbr2 = _knn(pos2, pos1, KNEI, CHUNK)
    mask2 = d2b <= R2 * R2
    k2 = _knn(pos1, pos2, 3, CHUNK)[1]
    k1 = _knn(pos, pos1, 3, CHUNK)[1]
    return idx1, nbr1, mask1, idx2, nbr2, mask2, k2, k1


def _forward(x_in, pos, wd, idx1, nbr1, mask1, idx2, nbr2, mask2, k2, k1):
    P = lambda n, L: [(wd[n + '_W' + str(j)], wd[n + '_b' + str(j)]) for j in range(1, L + 1)]
    pos1 = pos[idx1]
    x1 = _sa_conv(x_in, pos, idx1, nbr1, mask1, P('sa1', 2))
    pos2 = pos1[idx2]
    x2 = _sa_conv(x1, pos1, idx2, nbr2, mask2, P('sa2', 2))
    h = _mlp(jnp.concatenate([x2, pos2], axis=-1), P('sa3', 2))
    xg = jnp.max(h, axis=0, keepdims=True)
    posg = jnp.zeros((1, 3), dtype=pos.dtype)
    xi = _interp(xg, posg, pos2, jnp.zeros((M2, 1), dtype=jnp.int32))
    xf = _mlp(jnp.concatenate([xi, x2], axis=-1), P('fp3', 2))
    xi = _interp(xf, pos2, pos1, k2)
    xf = _mlp(jnp.concatenate([xi, x1], axis=-1), P('fp2', 2))
    xi = _interp(xf, pos1, pos, k1)
    xf = _mlp(jnp.concatenate([xi, x_in], axis=-1), P('fp1', 3))
    return _mlp(xf, P('mlp', 3))


def setup_inputs(seed=0):
    key = jax.random.key(seed)
    ks = jax.random.split(key, 64)
    inp = {}
    inp['x'] = jax.random.normal(ks[0], (N, 1), dtype=jnp.float32)
    inp['pos'] = jax.random.normal(ks[1], (N, 3), dtype=jnp.float32)
    inp['batch'] = jnp.zeros((N,), dtype=jnp.int32)
    i = 2
    for name, ds in _DIMS.items():
        for li in range(len(ds) - 1):
            inp[name + '_W' + str(li + 1)] = jax.random.normal(ks[i], (ds[li], ds[li + 1]), dtype=jnp.float32) * (1.0 / np.sqrt(ds[li])).astype(np.float32)
            i += 1
            inp[name + '_b' + str(li + 1)] = jnp.zeros((ds[li + 1],), dtype=jnp.float32)
    return inp


def reference(x, pos, batch,
              sa1_W1, sa1_b1, sa1_W2, sa1_b2,
              sa2_W1, sa2_b1, sa2_W2, sa2_b2,
              sa3_W1, sa3_b1, sa3_W2, sa3_b2,
              fp3_W1, fp3_b1, fp3_W2, fp3_b2,
              fp2_W1, fp2_b1, fp2_W2, fp2_b2,
              fp1_W1, fp1_b1, fp1_W2, fp1_b2, fp1_W3, fp1_b3,
              mlp_W1, mlp_b1, mlp_W2, mlp_b2, mlp_W3, mlp_b3):
    wd = {k: v for k, v in locals().items() if k not in ('x', 'pos', 'batch')}
    s = _structures(pos)
    return _forward(x, pos, wd, *s)

if __name__ == "__main__":
    import jax
    _d = setup_inputs()
    print(jax.jit(kernel)(*tuple(_d.values())))

</pallas_src>

<mosaic_0001>
module attributes {stable_mosaic.version = 14 : i64} {
  func.func @_fps_body(%arg0: memref<392x128xf32, #tpu.memory_space<vmem>>, %arg1: memref<392x128xf32, #tpu.memory_space<vmem>>, %arg2: memref<392x128xf32, #tpu.memory_space<vmem>>, %arg3: memref<10000x1xi32, #tpu.memory_space<vmem>>, %arg4: memref<392x128xf32, #tpu.memory_space<vmem>>) attributes {dimension_semantics = [], scalar_prefetch = 0 : i64, scratch_operands = 1 : i64, tpu.core_type = #tpu.core_type<tc>} {
    %iota3A = tpu.iota {dimensions = array<i32: 0>} : vector<392x128xi32>
    %iota3A_0 = tpu.iota {dimensions = array<i32: 1>} : vector<392x128xi32>
    %mul3A = arith.constant 128 : i32
    %mul3A_1 = vector.broadcast %mul3A : i32 to vector<392x128xi32>
    %mul3A_2 = arith.muli %iota3A, %mul3A_1 : vector<392x128xi32>
    %add3A = arith.addi %mul3A_2, %iota3A_0 : vector<392x128xi32>
    %lt3A = arith.constant 50000 : i32
    %lt3A_3 = vector.broadcast %lt3A : i32 to vector<392x128xi32>
    %lt3A_4 = arith.cmpi slt, %add3A, %lt3A_3 : vector<392x128xi32>
    %get3A = arith.constant 0 : index
    %get3A_5 = arith.constant 0 : index
    %get3A_6 = vector.load %arg0[%get3A, %get3A_5] : memref<392x128xf32, #tpu.memory_space<vmem>>, vector<1x1xf32>
    %get3A_7 = vector.extract %get3A_6[0, 0] : f32 from vector<1x1xf32>
    %get3A_8 = arith.constant 0 : index
    %get3A_9 = arith.constant 0 : index
    %get3A_10 = vector.load %arg1[%get3A_8, %get3A_9] : memref<392x128xf32, #tpu.memory_space<vmem>>, vector<1x1xf32>
    %get3A_11 = vector.extract %get3A_10[0, 0] : f32 from vector<1x1xf32>
    %get3A_12 = arith.constant 0 : index
    %get3A_13 = arith.constant 0 : index
    %get3A_14 = vector.load %arg2[%get3A_12, %get3A_13] : memref<392x128xf32, #tpu.memory_space<vmem>>, vector<1x1xf32>
    %get3A_15 = vector.extract %get3A_14[0, 0] : f32 from vector<1x1xf32>
    %get3A_16 = arith.constant 0 : index
    %get3A_17 = arith.constant 0 : index
    %get3A_18 = vector.load %arg0[%get3A_16, %get3A_17] : memref<392x128xf32, #tpu.memory_space<vmem>>, vector<392x128xf32>
    %sub3A = vector.broadcast %get3A_7 : f32 to vector<392x128xf32>
    %sub3A_19 = arith.subf %get3A_18, %sub3A : vector<392x128xf32>
    %integer_pow3A = arith.mulf %sub3A_19, %sub3A_19 : vector<392x128xf32>
    %get3A_20 = arith.constant 0 : index
    %get3A_21 = arith.constant 0 : index
    %get3A_22 = vector.load %arg1[%get3A_20, %get3A_21] : memref<392x128xf32, #tpu.memory_space<vmem>>, vector<392x128xf32>
    %sub3A_23 = vector.broadcast %get3A_11 : f32 to vector<392x128xf32>
    %sub3A_24 = arith.subf %get3A_22, %sub3A_23 : vector<392x128xf32>
    %integer_pow3A_25 = arith.mulf %sub3A_24, %sub3A_24 : vector<392x128xf32>
    %add3A_26 = arith.addf %integer_pow3A, %integer_pow3A_25 : vector<392x128xf32>
    %get3A_27 = arith.constant 0 : index
    %get3A_28 = arith.constant 0 : index
    %get3A_29 = vector.load %arg2[%get3A_27, %get3A_28] : memref<392x128xf32, #tpu.memory_space<vmem>>, vector<392x128xf32>
    %sub3A_30 = vector.broadcast %get3A_15 : f32 to vector<392x128xf32>
    %sub3A_31 = arith.subf %get3A_29, %sub3A_30 : vector<392x128xf32>
    %integer_pow3A_32 = arith.mulf %sub3A_31, %sub3A_31 : vector<392x128xf32>
    %add3A_33 = arith.addf %add3A_26, %integer_pow3A_32 : vector<392x128xf32>
    %jit3A = arith.constant -1.000000e+00 : f32
    %broadcast_in_dim3A = vector.broadcast %jit3A : f32 to vector<392x128xf32>
    %select_n3A = arith.select %lt3A_4, %add3A_33, %broadcast_in_dim3A : vector<392x128xi1>, vector<392x128xf32>
    %swap3A = arith.constant 0 : index
    %swap3A_34 = arith.constant 0 : index
    %swap3A_35 = vector.load %arg4[%swap3A, %swap3A_34] : memref<392x128xf32, #tpu.memory_space<vmem>>, vector<392x128xf32>
    tpu.vector_store %arg4[%swap3A, %swap3A_34], %select_n3A {strides = array<i32>} : memref<392x128xf32, #tpu.memory_space<vmem>>, vector<392x128xf32>,
    %broadcast_in_dim3A_36 = arith.constant 0 : i32
    %broadcast_in_dim3A_37 = vector.broadcast %broadcast_in_dim3A_36 : i32 to vector<1x1xi32>
    %swap3A_38 = arith.constant 0 : index
    %swap3A_39 = arith.constant 0 : index
    %swap3A_40 = vector.load %arg3[%swap3A_38, %swap3A_39] : memref<10000x1xi32, #tpu.memory_space<vmem>>, vector<1x1xi32>
    tpu.vector_store %arg3[%swap3A_38, %swap3A_39], %broadcast_in_dim3A_37 {strides = array<i32>} : memref<10000x1xi32, #tpu.memory_space<vmem>>, vector<1x1xi32>,
    %scan3A = arith.constant 1 : i32
    %scan3A_41 = arith.constant 9999 : i32
    %scan3A_42 = arith.addi %scan3A, %scan3A_41 : i32
    %scan3A_43 = arith.constant 1 : i32
    scf.for %scan3A_45 = %scan3A to %scan3A_42 step %scan3A_43  : i32 {
      %get3A_46 = arith.constant 0 : index
      %get3A_47 = arith.constant 0 : index
      %get3A_48 = vector.load %arg4[%get3A_46, %get3A_47] : memref<392x128xf32, #tpu.memory_space<vmem>>, vector<392x128xf32>
      %reduce_max3A = vector.shape_cast %get3A_48 : vector<392x128xf32> to vector<1x392x128xf32>
      %reduce_max3A_49 = arith.constant dense<0xFF800000> : vector<1xf32>
      %reduce_max3A_50 = vector.multi_reduction <maximumf>, %reduce_max3A, %reduce_max3A_49 [1, 2] : vector<1x392x128xf32> to vector<1xf32>
      %reduce_max3A_51 = vector.shape_cast %reduce_max3A_50 : vector<1xf32> to vector<1x1x1xf32>
      %reduce_max3A_52 = vector.extract %reduce_max3A_51[0, 0, 0] : f32 from vector<1x1x1xf32>
      %eq3A = vector.broadcast %reduce_max3A_52 : f32 to vector<392x128xf32>
      %eq3A_53 = arith.cmpf oeq, %get3A_48, %eq3A : vector<392x128xf32>
      %jit3A_54 = arith.constant 2147483647 : i32
      %broadcast_in_dim3A_55 = vector.broadcast %jit3A_54 : i32 to vector<392x128xi32>
      %select_n3A_56 = arith.select %eq3A_53, %add3A, %broadcast_in_dim3A_55 : vector<392x128xi1>, vector<392x128xi32>
      %reduce_min3A = vector.shape_cast %select_n3A_56 : vector<392x128xi32> to vector<1x392x128xi32>
      %reduce_min3A_57 = arith.constant dense<2147483647> : vector<1xi32>
      %reduce_min3A_58 = vector.multi_reduction <minsi>, %reduce_min3A, %reduce_min3A_57 [1, 2] : vector<1x392x128xi32> to vector<1xi32>
      %reduce_min3A_59 = vector.shape_cast %reduce_min3A_58 : vector<1xi32> to vector<1x1x1xi32>
      %reduce_min3A_60 = vector.extract %reduce_min3A_59[0, 0, 0] : i32 from vector<1x1x1xi32>
      %broadcast_in_dim3A_61 = vector.broadcast %reduce_min3A_60 : i32 to vector<1x1xi32>
      %swap3A_62 = arith.index_cast %scan3A_45 : i32 to index
      %swap3A_63 = arith.constant 0 : index
      %swap3A_64 = vector.load %arg3[%swap3A_62, %swap3A_63] : memref<10000x1xi32, #tpu.memory_space<vmem>>, vector<1x1xi32>
      tpu.vector_store %arg3[%swap3A_62, %swap3A_63], %broadcast_in_dim3A_61 {strides = array<i32>} : memref<10000x1xi32, #tpu.memory_space<vmem>>, vector<1x1xi32>,
      %eq3A_65 = vector.broadcast %reduce_min3A_60 : i32 to vector<392x128xi32>
      %eq3A_66 = arith.cmpi eq, %add3A, %eq3A_65 : vector<392x128xi32>
      %get3A_67 = arith.constant 0 : index
      %get3A_68 = arith.constant 0 : index
      %get3A_69 = vector.load %arg0[%get3A_67, %get3A_68] : memref<392x128xf32, #tpu.memory_space<vmem>>, vector<392x128xf32>
      %jit3A_70 = arith.constant 0.000000e+00 : f32
      %broadcast_in_dim3A_71 = vector.broadcast %jit3A_70 : f32 to vector<392x128xf32>
      %select_n3A_72 = arith.select %eq3A_66, %get3A_69, %broadcast_in_dim3A_71 : vector<392x128xi1>, vector<392x128xf32>
      %reduce_sum3A = vector.shape_cast %select_n3A_72 : vector<392x128xf32> to vector<1x392x128xf32>
      %reduce_sum3A_73 = arith.constant dense<0.000000e+00> : vector<1xf32>
      %reduce_sum3A_74 = vector.multi_reduction <add>, %reduce_sum3A, %reduce_sum3A_73 [1, 2] : vector<1x392x128xf32> to vector<1xf32>
      %reduce_sum3A_75 = vector.shape_cast %reduce_sum3A_74 : vector<1xf32> to vector<1x1x1xf32>
      %reduce_sum3A_76 = vector.extract %reduce_sum3A_75[0, 0, 0] : f32 from vector<1x1x1xf32>
      %get3A_77 = arith.constant 0 : index
      %get3A_78 = arith.constant 0 : index
      %get3A_79 = vector.load %arg1[%get3A_77, %get3A_78] : memref<392x128xf32, #tpu.memory_space<vmem>>, vector<392x128xf32>
      %jit3A_80 = arith.constant 0.000000e+00 : f32
      %broadcast_in_dim3A_81 = vector.broadcast %jit3A_80 : f32 to vector<392x128xf32>
      %select_n3A_82 = arith.select %eq3A_66, %get3A_79, %broadcast_in_dim3A_81 : vector<392x128xi1>, vector<392x128xf32>
      %reduce_sum3A_83 = vector.shape_cast %select_n3A_82 : vector<392x128xf32> to vector<1x392x128xf32>
      %reduce_sum3A_84 = arith.constant dense<0.000000e+00> : vector<1xf32>
      %reduce_sum3A_85 = vector.multi_reduction <add>, %reduce_sum3A_83, %reduce_sum3A_84 [1, 2] : vector<1x392x128xf32> to vector<1xf32>
      %reduce_sum3A_86 = vector.shape_cast %reduce_sum3A_85 : vector<1xf32> to vector<1x1x1xf32>
      %reduce_sum3A_87 = vector.extract %reduce_sum3A_86[0, 0, 0] : f32 from vector<1x1x1xf32>
      %get3A_88 = arith.constant 0 : index
      %get3A_89 = arith.constant 0 : index
      %get3A_90 = vector.load %arg2[%get3A_88, %get3A_89] : memref<392x128xf32, #tpu.memory_space<vmem>>, vector<392x128xf32>
      %jit3A_91 = arith.constant 0.000000e+00 : f32
      %broadcast_in_dim3A_92 = vector.broadcast %jit3A_91 : f32 to vector<392x128xf32>
      %select_n3A_93 = arith.select %eq3A_66, %get3A_90, %broadcast_in_dim3A_92 : vector<392x128xi1>, vector<392x128xf32>
      %reduce_sum3A_94 = vector.shape_cast %select_n3A_93 : vector<392x128xf32> to vector<1x392x128xf32>
      %reduce_sum3A_95 = arith.constant dense<0.000000e+00> : vector<1xf32>
      %reduce_sum3A_96 = vector.multi_reduction <add>, %reduce_sum3A_94, %reduce_sum3A_95 [1, 2] : vector<1x392x128xf32> to vector<1xf32>
      %reduce_sum3A_97 = vector.shape_cast %reduce_sum3A_96 : vector<1xf32> to vector<1x1x1xf32>
      %reduce_sum3A_98 = vector.extract %reduce_sum3A_97[0, 0, 0] : f32 from vector<1x1x1xf32>
      %get3A_99 = arith.constant 0 : index
      %get3A_100 = arith.constant 0 : index
      %get3A_101 = vector.load %arg0[%get3A_99, %get3A_100] : memref<392x128xf32, #tpu.memory_space<vmem>>, vector<392x128xf32>
      %sub3A_102 = vector.broadcast %reduce_sum3A_76 : f32 to vector<392x128xf32>
      %sub3A_103 = arith.subf %get3A_101, %sub3A_102 : vector<392x128xf32>
      %integer_pow3A_104 = arith.mulf %sub3A_103, %sub3A_103 : vector<392x128xf32>
      %get3A_105 = arith.constant 0 : index
      %get3A_106 = arith.constant 0 : index
      %get3A_107 = vector.load %arg1[%get3A_105, %get3A_106] : memref<392x128xf32, #tpu.memory_space<vmem>>, vector<392x128xf32>
      %sub3A_108 = vector.broadcast %reduce_sum3A_87 : f32 to vector<392x128xf32>
      %sub3A_109 = arith.subf %get3A_107, %sub3A_108 : vector<392x128xf32>
      %integer_pow3A_110 = arith.mulf %sub3A_109, %sub3A_109 : vector<392x128xf32>
      %add3A_111 = arith.addf %integer_pow3A_104, %integer_pow3A_110 : vector<392x128xf32>
      %get3A_112 = arith.constant 0 : index
      %get3A_113 = arith.constant 0 : index
      %get3A_114 = vector.load %arg2[%get3A_112, %get3A_113] : memref<392x128xf32, #tpu.memory_space<vmem>>, vector<392x128xf32>
      %sub3A_115 = vector.broadcast %reduce_sum3A_98 : f32 to vector<392x128xf32>
      %sub3A_116 = arith.subf %get3A_114, %sub3A_115 : vector<392x128xf32>
      %integer_pow3A_117 = arith.mulf %sub3A_116, %sub3A_116 : vector<392x128xf32>
      %add3A_118 = arith.addf %add3A_111, %integer_pow3A_117 : vector<392x128xf32>
      %min3A = arith.minimumf %get3A_48, %add3A_118 : vector<392x128xf32>
      %swap3A_119 = arith.constant 0 : index
      %swap3A_120 = arith.constant 0 : index
      %swap3A_121 = vector.load %arg4[%swap3A_119, %swap3A_120] : memref<392x128xf32, #tpu.memory_space<vmem>>, vector<392x128xf32>
      tpu.vector_store %arg4[%swap3A_119, %swap3A_120], %min3A {strides = array<i32>} : memref<392x128xf32, #tpu.memory_space<vmem>>, vector<392x128xf32>,
    }
    %scan3A_44 = arith.constant 9999 : i32
    return
  }
}

module attributes {stable_mosaic.version = 14 : i64} {
  func.func @_fps_body(%arg0: memref<80x128xf32, #tpu.memory_space<vmem>>, %arg1: memref<80x128xf32, #tpu.memory_space<vmem>>, %arg2: memref<80x128xf32, #tpu.memory_space<vmem>>, %arg3: memref<2500x1xi32, #tpu.memory_space<vmem>>, %arg4: memref<80x128xf32, #tpu.memory_space<vmem>>) attributes {dimension_semantics = [], scalar_prefetch = 0 : i64, scratch_operands = 1 : i64, tpu.core_type = #tpu.core_type<tc>} {
    %iota3A = tpu.iota {dimensions = array<i32: 0>} : vector<80x128xi32>
    %iota3A_0 = tpu.iota {dimensions = array<i32: 1>} : vector<80x128xi32>
    %mul3A = arith.constant 128 : i32
    %mul3A_1 = vector.broadcast %mul3A : i32 to vector<80x128xi32>
    %mul3A_2 = arith.muli %iota3A, %mul3A_1 : vector<80x128xi32>
    %add3A = arith.addi %mul3A_2, %iota3A_0 : vector<80x128xi32>
    %lt3A = arith.constant 10000 : i32
    %lt3A_3 = vector.broadcast %lt3A : i32 to vector<80x128xi32>
    %lt3A_4 = arith.cmpi slt, %add3A, %lt3A_3 : vector<80x128xi32>
    %get3A = arith.constant 0 : index
    %get3A_5 = arith.constant 0 : index
    %get3A_6 = vector.load %arg0[%get3A, %get3A_5] : memref<80x128xf32, #tpu.memory_space<vmem>>, vector<1x1xf32>
    %get3A_7 = vector.extract %get3A_6[0, 0] : f32 from vector<1x1xf32>
    %get3A_8 = arith.constant 0 : index
    %get3A_9 = arith.constant 0 : index
    %get3A_10 = vector.load %arg1[%get3A_8, %get3A_9] : memref<80x128xf32, #tpu.memory_space<vmem>>, vector<1x1xf32>
    %get3A_11 = vector.extract %get3A_10[0, 0] : f32 from vector<1x1xf32>
    %get3A_12 = arith.constant 0 : index
    %get3A_13 = arith.constant 0 : index
    %get3A_14 = vector.load %arg2[%get3A_12, %get3A_13] : memref<80x128xf32, #tpu.memory_space<vmem>>, vector<1x1xf32>
    %get3A_15 = vector.extract %get3A_14[0, 0] : f32 from vector<1x1xf32>
    %get3A_16 = arith.constant 0 : index
    %get3A_17 = arith.constant 0 : index
    %get3A_18 = vector.load %arg0[%get3A_16, %get3A_17] : memref<80x128xf32, #tpu.memory_space<vmem>>, vector<80x128xf32>
    %sub3A = vector.broadcast %get3A_7 : f32 to vector<80x128xf32>
    %sub3A_19 = arith.subf %get3A_18, %sub3A : vector<80x128xf32>
    %integer_pow3A = arith.mulf %sub3A_19, %sub3A_19 : vector<80x128xf32>
    %get3A_20 = arith.constant 0 : index
    %get3A_21 = arith.constant 0 : index
    %get3A_22 = vector.load %arg1[%get3A_20, %get3A_21] : memref<80x128xf32, #tpu.memory_space<vmem>>, vector<80x128xf32>
    %sub3A_23 = vector.broadcast %get3A_11 : f32 to vector<80x128xf32>
    %sub3A_24 = arith.subf %get3A_22, %sub3A_23 : vector<80x128xf32>
    %integer_pow3A_25 = arith.mulf %sub3A_24, %sub3A_24 : vector<80x128xf32>
    %add3A_26 = arith.addf %integer_pow3A, %integer_pow3A_25 : vector<80x128xf32>
    %get3A_27 = arith.constant 0 : index
    %get3A_28 = arith.constant 0 : index
    %get3A_29 = vector.load %arg2[%get3A_27, %get3A_28] : memref<80x128xf32, #tpu.memory_space<vmem>>, vector<80x128xf32>
    %sub3A_30 = vector.broadcast %get3A_15 : f32 to vector<80x128xf32>
    %sub3A_31 = arith.subf %get3A_29, %sub3A_30 : vector<80x128xf32>
    %integer_pow3A_32 = arith.mulf %sub3A_31, %sub3A_31 : vector<80x128xf32>
    %add3A_33 = arith.addf %add3A_26, %integer_pow3A_32 : vector<80x128xf32>
    %jit3A = arith.constant -1.000000e+00 : f32
    %broadcast_in_dim3A = vector.broadcast %jit3A : f32 to vector<80x128xf32>
    %select_n3A = arith.select %lt3A_4, %add3A_33, %broadcast_in_dim3A : vector<80x128xi1>, vector<80x128xf32>
    %swap3A = arith.constant 0 : index
    %swap3A_34 = arith.constant 0 : index
    %swap3A_35 = vector.load %arg4[%swap3A, %swap3A_34] : memref<80x128xf32, #tpu.memory_space<vmem>>, vector<80x128xf32>
    tpu.vector_store %arg4[%swap3A, %swap3A_34], %select_n3A {strides = array<i32>} : memref<80x128xf32, #tpu.memory_space<vmem>>, vector<80x128xf32>,
    %broadcast_in_dim3A_36 = arith.constant 0 : i32
    %broadcast_in_dim3A_37 = vector.broadcast %broadcast_in_dim3A_36 : i32 to vector<1x1xi32>
    %swap3A_38 = arith.constant 0 : index
    %swap3A_39 = arith.constant 0 : index
    %swap3A_40 = vector.load %arg3[%swap3A_38, %swap3A_39] : memref<2500x1xi32, #tpu.memory_space<vmem>>, vector<1x1xi32>
    tpu.vector_store %arg3[%swap3A_38, %swap3A_39], %broadcast_in_dim3A_37 {strides = array<i32>} : memref<2500x1xi32, #tpu.memory_space<vmem>>, vector<1x1xi32>,
    %scan3A = arith.constant 1 : i32
    %scan3A_41 = arith.constant 2499 : i32
    %scan3A_42 = arith.addi %scan3A, %scan3A_41 : i32
    %scan3A_43 = arith.constant 1 : i32
    scf.for %scan3A_45 = %scan3A to %scan3A_42 step %scan3A_43  : i32 {
      %get3A_46 = arith.constant 0 : index
      %get3A_47 = arith.constant 0 : index
      %get3A_48 = vector.load %arg4[%get3A_46, %get3A_47] : memref<80x128xf32, #tpu.memory_space<vmem>>, vector<80x128xf32>
      %reduce_max3A = vector.shape_cast %get3A_48 : vector<80x128xf32> to vector<1x80x128xf32>
      %reduce_max3A_49 = arith.constant dense<0xFF800000> : vector<1xf32>
      %reduce_max3A_50 = vector.multi_reduction <maximumf>, %reduce_max3A, %reduce_max3A_49 [1, 2] : vector<1x80x128xf32> to vector<1xf32>
      %reduce_max3A_51 = vector.shape_cast %reduce_max3A_50 : vector<1xf32> to vector<1x1x1xf32>
      %reduce_max3A_52 = vector.extract %reduce_max3A_51[0, 0, 0] : f32 from vector<1x1x1xf32>
      %eq3A = vector.broadcast %reduce_max3A_52 : f32 to vector<80x128xf32>
      %eq3A_53 = arith.cmpf oeq, %get3A_48, %eq3A : vector<80x128xf32>
      %jit3A_54 = arith.constant 2147483647 : i32
      %broadcast_in_dim3A_55 = vector.broadcast %jit3A_54 : i32 to vector<80x128xi32>
      %select_n3A_56 = arith.select %eq3A_53, %add3A, %broadcast_in_dim3A_55 : vector<80x128xi1>, vector<80x128xi32>
      %reduce_min3A = vector.shape_cast %select_n3A_56 : vector<80x128xi32> to vector<1x80x128xi32>
      %reduce_min3A_57 = arith.constant dense<2147483647> : vector<1xi32>
      %reduce_min3A_58 = vector.multi_reduction <minsi>, %reduce_min3A, %reduce_min3A_57 [1, 2] : vector<1x80x128xi32> to vector<1xi32>
      %reduce_min3A_59 = vector.shape_cast %reduce_min3A_58 : vector<1xi32> to vector<1x1x1xi32>
      %reduce_min3A_60 = vector.extract %reduce_min3A_59[0, 0, 0] : i32 from vector<1x1x1xi32>
      %broadcast_in_dim3A_61 = vector.broadcast %reduce_min3A_60 : i32 to vector<1x1xi32>
      %swap3A_62 = arith.index_cast %scan3A_45 : i32 to index
      %swap3A_63 = arith.constant 0 : index
      %swap3A_64 = vector.load %arg3[%swap3A_62, %swap3A_63] : memref<2500x1xi32, #tpu.memory_space<vmem>>, vector<1x1xi32>
      tpu.vector_store %arg3[%swap3A_62, %swap3A_63], %broadcast_in_dim3A_61 {strides = array<i32>} : memref<2500x1xi32, #tpu.memory_space<vmem>>, vector<1x1xi32>,
      %eq3A_65 = vector.broadcast %reduce_min3A_60 : i32 to vector<80x128xi32>
      %eq3A_66 = arith.cmpi eq, %add3A, %eq3A_65 : vector<80x128xi32>
      %get3A_67 = arith.constant 0 : index
      %get3A_68 = arith.constant 0 : index
      %get3A_69 = vector.load %arg0[%get3A_67, %get3A_68] : memref<80x128xf32, #tpu.memory_space<vmem>>, vector<80x128xf32>
      %jit3A_70 = arith.constant 0.000000e+00 : f32
      %broadcast_in_dim3A_71 = vector.broadcast %jit3A_70 : f32 to vector<80x128xf32>
      %select_n3A_72 = arith.select %eq3A_66, %get3A_69, %broadcast_in_dim3A_71 : vector<80x128xi1>, vector<80x128xf32>
      %reduce_sum3A = vector.shape_cast %select_n3A_72 : vector<80x128xf32> to vector<1x80x128xf32>
      %reduce_sum3A_73 = arith.constant dense<0.000000e+00> : vector<1xf32>
      %reduce_sum3A_74 = vector.multi_reduction <add>, %reduce_sum3A, %reduce_sum3A_73 [1, 2] : vector<1x80x128xf32> to vector<1xf32>
      %reduce_sum3A_75 = vector.shape_cast %reduce_sum3A_74 : vector<1xf32> to vector<1x1x1xf32>
      %reduce_sum3A_76 = vector.extract %reduce_sum3A_75[0, 0, 0] : f32 from vector<1x1x1xf32>
      %get3A_77 = arith.constant 0 : index
      %get3A_78 = arith.constant 0 : index
      %get3A_79 = vector.load %arg1[%get3A_77, %get3A_78] : memref<80x128xf32, #tpu.memory_space<vmem>>, vector<80x128xf32>
      %jit3A_80 = arith.constant 0.000000e+00 : f32
      %broadcast_in_dim3A_81 = vector.broadcast %jit3A_80 : f32 to vector<80x128xf32>
      %select_n3A_82 = arith.select %eq3A_66, %get3A_79, %broadcast_in_dim3A_81 : vector<80x128xi1>, vector<80x128xf32>
      %reduce_sum3A_83 = vector.shape_cast %select_n3A_82 : vector<80x128xf32> to vector<1x80x128xf32>
      %reduce_sum3A_84 = arith.constant dense<0.000000e+00> : vector<1xf32>
      %reduce_sum3A_85 = vector.multi_reduction <add>, %reduce_sum3A_83, %reduce_sum3A_84 [1, 2] : vector<1x80x128xf32> to vector<1xf32>
      %reduce_sum3A_86 = vector.shape_cast %reduce_sum3A_85 : vector<1xf32> to vector<1x1x1xf32>
      %reduce_sum3A_87 = vector.extract %reduce_sum3A_86[0, 0, 0] : f32 from vector<1x1x1xf32>
      %get3A_88 = arith.constant 0 : index
      %get3A_89 = arith.constant 0 : index
      %get3A_90 = vector.load %arg2[%get3A_88, %get3A_89] : memref<80x128xf32, #tpu.memory_space<vmem>>, vector<80x128xf32>
      %jit3A_91 = arith.constant 0.000000e+00 : f32
      %broadcast_in_dim3A_92 = vector.broadcast %jit3A_91 : f32 to vector<80x128xf32>
      %select_n3A_93 = arith.select %eq3A_66, %get3A_90, %broadcast_in_dim3A_92 : vector<80x128xi1>, vector<80x128xf32>
      %reduce_sum3A_94 = vector.shape_cast %select_n3A_93 : vector<80x128xf32> to vector<1x80x128xf32>
      %reduce_sum3A_95 = arith.constant dense<0.000000e+00> : vector<1xf32>
      %reduce_sum3A_96 = vector.multi_reduction <add>, %reduce_sum3A_94, %reduce_sum3A_95 [1, 2] : vector<1x80x128xf32> to vector<1xf32>
      %reduce_sum3A_97 = vector.shape_cast %reduce_sum3A_96 : vector<1xf32> to vector<1x1x1xf32>
      %reduce_sum3A_98 = vector.extract %reduce_sum3A_97[0, 0, 0] : f32 from vector<1x1x1xf32>
      %get3A_99 = arith.constant 0 : index
      %get3A_100 = arith.constant 0 : index
      %get3A_101 = vector.load %arg0[%get3A_99, %get3A_100] : memref<80x128xf32, #tpu.memory_space<vmem>>, vector<80x128xf32>
      %sub3A_102 = vector.broadcast %reduce_sum3A_76 : f32 to vector<80x128xf32>
      %sub3A_103 = arith.subf %get3A_101, %sub3A_102 : vector<80x128xf32>
      %integer_pow3A_104 = arith.mulf %sub3A_103, %sub3A_103 : vector<80x128xf32>
      %get3A_105 = arith.constant 0 : index
      %get3A_106 = arith.constant 0 : index
      %get3A_107 = vector.load %arg1[%get3A_105, %get3A_106] : memref<80x128xf32, #tpu.memory_space<vmem>>, vector<80x128xf32>
      %sub3A_108 = vector.broadcast %reduce_sum3A_87 : f32 to vector<80x128xf32>
      %sub3A_109 = arith.subf %get3A_107, %sub3A_108 : vector<80x128xf32>
      %integer_pow3A_110 = arith.mulf %sub3A_109, %sub3A_109 : vector<80x128xf32>
      %add3A_111 = arith.addf %integer_pow3A_104, %integer_pow3A_110 : vector<80x128xf32>
      %get3A_112 = arith.constant 0 : index
      %get3A_113 = arith.constant 0 : index
      %get3A_114 = vector.load %arg2[%get3A_112, %get3A_113] : memref<80x128xf32, #tpu.memory_space<vmem>>, vector<80x128xf32>
      %sub3A_115 = vector.broadcast %reduce_sum3A_98 : f32 to vector<80x128xf32>
      %sub3A_116 = arith.subf %get3A_114, %sub3A_115 : vector<80x128xf32>
      %integer_pow3A_117 = arith.mulf %sub3A_116, %sub3A_116 : vector<80x128xf32>
      %add3A_118 = arith.addf %add3A_111, %integer_pow3A_117 : vector<80x128xf32>
      %min3A = arith.minimumf %get3A_48, %add3A_118 : vector<80x128xf32>
      %swap3A_119 = arith.constant 0 : index
      %swap3A_120 = arith.constant 0 : index
      %swap3A_121 = vector.load %arg4[%swap3A_119, %swap3A_120] : memref<80x128xf32, #tpu.memory_space<vmem>>, vector<80x128xf32>
      tpu.vector_store %arg4[%swap3A_119, %swap3A_120], %min3A {strides = array<i32>} : memref<80x128xf32, #tpu.memory_space<vmem>>, vector<80x128xf32>,
    }
    %scan3A_44 = arith.constant 2499 : i32
    return
  }
}

</mosaic_0001>

<sc_bundles>
// kernel: gather_offload_async_start
scs
__scs_entry_jumppad:
0x0: {  	(pc) =	sbr.rel $0x88, $3  }
0x1: {  	(tag) =	ssettag $0x0;
	lr =	simm.s32 $0x1  }
0x2: {  	[smem:$0x3F7F] =	sst lr;
	_ =	strace $0xD0000000  }
0x3: {  	_ = 	snop  }
0x4: {  	_ = 	snop  }
0x5: {  	_ = 	snop  }
0x6: {  	_ = 	snop  }
0x7: {  	_ = 	snop  }
__scs_overlays_trampoline_lowered:
0x8: {  	[smem:$0x3F8E] =	sst s0  }
0x9: {  	[smem:$0x3F8F] =	sst s1  }
0xa: {  	[smem:$0x3F90] =	sst s2  }
0xb: {  	[smem:$0x3F91] =	sst s3  }
0xc: {  	[smem:$0x3F92] =	sst s4  }
0xd: {  	[smem:$0x3F93] =	sst s5  }
0xe: {  	[smem:$0x3F94] =	sst s6  }
0xf: {  	[smem:$0x3F95] =	sst s7  }
0x10: {  	[smem:$0x3F96] =	sst s8  }
0x11: {  	[smem:$0x3F97] =	sst s9;
	s0 =	simm.s32 @!p0 $0x0  }
0x12: {  	s1 =	sld [smem:$0x3F7D];
	s0 =	simm.s32 @p0 $0x1  }
0x13: {  	[smem:$0x3F98] =	sst s0;
	s0 =	simm.s32 @!p1 $0x0  }
0x14: {  	s2 =	sld [smem:$0x3F7C];
	s0 =	simm.s32 @p1 $0x1  }
0x15: {  	[smem:$0x3F99] =	sst s0;
	s0 =	simm.s32 @!p2 $0x0  }
0x16: {  	s3 =	sld [smem:$0x3FDB];
	s0 =	simm.s32 @p2 $0x1  }
0x17: {  	s4 =	simm.s32 $0x1BF5;
	[smem:$0x3F9B] =	sst s0  }
0x18: {  	s0 =	sld [smem:$0x3F7E];
	_ =	swait.ge [sflag:s4], $0x0  }
0x19: {  	s7 =	sld [smem:$0x3F7F]  }
0x1a: {  	s8 =	sadd.s32 $0xFFFFE003, lr  }
0x1b: {  	s9 =	sadd.s32 $0xFFFFFEF7, lr;
	s5 =	simm.s32 $0xFFFFFFFF;
	p2 =	slt.u32 s8, $0xFFFFF086  }
0x1c: {  	p1 =	slt.u32 s9, $0xF7A;
	s5 =	simm.s32 @!p2 $0x0  }
0x1d: {  	s5 =	simm.s32 @p1 $0x1;
	p0 =	seq.s32 s7, s2  }
0x1e: {  	s7 =	smul.u32 @!p0 $0xF7A, s2;
	p2 =	seq.s32 @!p0 s5, $0x0  }
0x1f: {  	s9 =	smul.u32 $0xF7A, s1;
	s8 =	simm.s32 @!p0 $0x1BF5;
	p2 =	por !p2, p0  }
0x20: {  	[sflag:s8] =	ssyncset.s32 @!p0 $0xFFFFF086;
	s6 =	sadd.s32 @!p0 s3, s7;
	s7 =	simm.s32 @!p0 $0x108  }
0x21: {  	s3 =	sadd.s32 s3, s9;
	s6 =	sadd.s32 @!p0 $0x88, s6;
	s7 =	simm.s32 @p2 $0x1082  }
0x22: {  	[simem:s7], [sflag:s8] =	dma.local @!p0 [hbm:s6], $0xF7A  }
0x23: {  	s9 =	sor.u32 $0xD0000000, s2;
	s6 =	simm.s32 $0x108;
	_ =	swait.ge @!p0 [sflag:s8], $0x0  }
0x24: {  	s3 =	sadd.s32 $0x88, s3;
	s6 =	simm.s32 @!p1 $0x1082;
	[sflag:s4] =	ssyncset.s32 $0xFFFFF086  }
0x25: {  	[simem:s6], [sflag:s4] =	dma.local [hbm:s3], $0xF7A  }
0x26: {  	[smem:$0x3F7F] =	sst s1;
	(tag) =	ssettag s2;
	_ =	strace s9  }
0x27: {  	s1 =	sld [smem:$0x3F8F]  }
0x28: {  	s2 =	sld [smem:$0x3F90]  }
0x29: {  	s4 =	sld [smem:$0x3F92]  }
0x2a: {  	p0 =	seq.s32 s5, $0x0;
	s5 =	sld [smem:$0x3F93]  }
0x2b: {  	s6 =	sld [smem:$0x3F94]  }
0x2c: {  	s7 =	sld [smem:$0x3F95]  }
0x2d: {  	s3 =	simm.s32 $0x108;
	s8 =	sld [smem:$0x3F96]  }
0x2e: {  	s3 =	simm.s32 @!p0 $0x1082;
	s9 =	sld [smem:$0x3F97]  }
0x2f: {  	lr =	sadd.s32 s0, s3;
	s0 =	sld [smem:$0x3F8E]  }
0x30: {  	s3 =	sld [smem:$0x3F91]  }
0x31: {  	[smem:$0x3F9A] =	sst s10  }
0x32: {  	s10 =	sld [smem:$0x3F98];
	_ =	sdelay $0x3  }
0x33: {  	p0 =	seq.s32 s10, $0x1;
	s10 =	sld [smem:$0x3F9A];
	_ =	sdelay $0x3  }
0x34: {  	[smem:$0x3F9A] =	sst s10  }
0x35: {  	s10 =	sld [smem:$0x3F99];
	_ =	sdelay $0x3  }
0x36: {  	p1 =	seq.s32 s10, $0x1;
	s10 =	sld [smem:$0x3F9A];
	_ =	sdelay $0x3  }
0x37: {  	[smem:$0x3F9A] =	sst s10  }
0x38: {  	s10 =	sld [smem:$0x3F9B]  }
0x39: {  	_ = 	snop;
	(pc) =	sbr.ind lr, $3  }
0x3a: {  	_ = 	snop  }
0x3b: {  	_ = 	snop  }
0x3c: {  	p2 =	seq.s32 s10, $0x1;
	s10 =	sld [smem:$0x3F9A]  }
0x3d: {  	_ =	shalt  }
0x3e: {  	_ =	shalt  }
0x3f: {  	_ =	shalt  }
0x40: {  	_ =	shalt  }
0x41: {  	_ =	shalt  }
0x42: {  	_ =	shalt  }
0x43: {  	_ =	shalt  }
0x44: {  	_ =	shalt  }
0x45: {  	_ =	shalt  }
0x46: {  	_ =	shalt  }
0x47: {  	_ =	shalt  }
0x48: {  	_ =	shalt  }
0x49: {  	_ =	shalt  }
0x4a: {  	_ =	shalt  }
0x4b: {  	_ =	shalt  }
0x4c: {  	_ =	shalt  }
0x4d: {  	_ =	shalt  }
0x4e: {  	_ =	shalt  }
0x4f: {  	_ =	shalt  }
0x50: {  	_ =	shalt  }
0x51: {  	_ =	shalt  }
0x52: {  	_ =	shalt  }
0x53: {  	_ =	shalt  }
0x54: {  	_ =	shalt  }
0x55: {  	_ =	shalt  }
0x56: {  	_ =	shalt  }
0x57: {  	_ =	shalt  }
0x58: {  	_ =	shalt  }
0x59: {  	_ =	shalt  }
0x5a: {  	_ =	shalt  }
0x5b: {  	_ =	shalt  }
0x5c: {  	_ =	shalt  }
0x5d: {  	_ =	shalt  }
0x5e: {  	_ =	shalt  }
0x5f: {  	_ =	shalt  }
0x60: {  	_ =	shalt  }
0x61: {  	_ =	shalt  }
0x62: {  	_ =	shalt  }
0x63: {  	_ =	shalt  }
0x64: {  	_ =	shalt  }
0x65: {  	_ =	shalt  }
0x66: {  	_ =	shalt  }
0x67: {  	_ =	shalt  }
0x68: {  	_ =	shalt  }
0x69: {  	_ =	shalt  }
0x6a: {  	_ =	shalt  }
0x6b: {  	_ =	shalt  }
0x6c: {  	_ =	shalt  }
0x6d: {  	_ =	shalt  }
0x6e: {  	_ =	shalt  }
0x6f: {  	_ =	shalt  }
0x70: {  	_ =	shalt  }
0x71: {  	_ =	shalt  }
0x72: {  	_ =	shalt  }
0x73: {  	_ =	shalt  }
0x74: {  	_ =	shalt  }
0x75: {  	_ =	shalt  }
0x76: {  	_ =	shalt  }
0x77: {  	_ =	shalt  }
0x78: {  	_ =	shalt  }
0x79: {  	_ =	shalt  }
0x7a: {  	_ =	shalt  }
0x7b: {  	_ =	shalt  }
0x7c: {  	_ =	shalt  }
0x7d: {  	_ =	shalt  }
0x7e: {  	_ =	shalt  }
0x7f: {  	_ =	shalt  }
0x80: {  	_ =	shalt  }
0x81: {  	_ =	shalt  }
0x82: {  	_ =	shalt  }
0x83: {  	_ =	shalt  }
0x84: {  	_ =	shalt  }
0x85: {  	_ =	shalt  }
0x86: {  	_ =	shalt  }
0x87: {  	_ =	shalt  }
.Lfunc_end0:
.L_simem_size_0:
called_computation_lowered:
.L_overlay_start_0:
0x88: {  	s0 =	sld [smem:$0x3FD9]  }
0x89: {  	s1 =	sld [smem:$0x3FFE];
	_ =	sdelay $0x3  }
0x8a: {  	s0 =	sadd.s32 s1, s0  }
0x8b: {  	[smem:$0x3FA6] =	sst s0  }
0x8c: {  	_ = 	snop  }
0x8d: {  	(tm) =	ssettm $0x1  }
0x8e: {  	s15 =	sld [smem:$0x3FFB];
	_ =	sdelay $0x3  }
0x8f: {  	_ =	strace s15  }
0x90: {  	s0 =	sld [smem:$0x3FFC];
	_ =	sdelay $0x3  }
0x91: {  	_ =	strace s0  }
0x92: {  	s0 =	sld [smem:$0x3FFD];
	_ =	sdelay $0x3  }
0x93: {  	_ =	strace s0  }
0x94: {  	_ =	strace $0x8FFFFFFF  }
0x95: {  	s16 =	sld [smem:$0x3FDB];
	_ =	sdelay $0x1  }
0x96: {  	s17 =	simm.s32 $_scs_section_size  }
0x97: {  	s2 =	simm.s32 $_size__tile_overlayer_lowered;
	s3 =	simm.s32 $_tile_overlayer_lowered  }
0x98: {  	s20 =	simm.s32 $0x1BFF;
	s19 =	sshll.u32 s3, $0x1;
	s0 =	sadd.s32 s17, s16  }
0x99: {  	s4 =	simm.s32 $0x0;
	s18 =	sshll.u32 s2, $0x1;
	s2 =	sadd.s32 s19, s0  }
0x9a: {  	[timem:s4], [sflag:s20] =	dma.local [hbm:s2], s18  }
0x9b: {  	_ =	swait.ge [sflag:s20], s18  }
0x9c: {  	s1 =	ssub.s32 $0x0, s18;
	[sflag:s20] =	ssyncset.done $0x0  }
0x9d: {  	[sflag:s20] =	ssyncadd.s32 s1;
	_ =	sdelay $0x1  }
0x9e: {  	s21 =	simm.s32 $0x1B8B  }
0x9f: {  	_ =	swait.ge [sflag:s21], $0x1  }
0xa0: {  	[sflag:s21] =	ssyncset.done $0x0  }
0xa1: {  	s23 =	simm.s32 $0x1B8E;
	s22 =	sld [smem:$0x3FFE];
	[sflag:s21] =	ssyncadd.s32 $0xFFFFFFFF  }
0xa2: {  	s24 =	simm.s32 $execute0_lowered;
	[smem:$0x3FD2] =	sst s23  }
0xa3: {  	s2 =	sshll.u32 s24, $0x1;
	_ =	strace $0x80000046;
	[dreg:$0x1] =	wrdreg $0xFFFFFFFF  }
0xa4: {  	s25 =	simm.s32 $_size_execute0_lowered;
	s0 =	sadd.s32 s0, s2;
	[dreg:$0x0] =	wrdreg $0x0  }
0xa5: {  	s2 =	sshll.u32 s25, $0x1;
	[dreg:$0x2] =	wrdreg s0  }
0xa6: {  	[dreg:$0x3] =	wrdreg s2  }
0xa7: {  	[dreg:$0x4] =	wrdreg $0xC0  }
0xa8: {  	_ =	task [dreg:s4], $0x5FFFF  }
0xa9: {  	[dreg:$0x1] =	wrdreg $0xFFFFFFFF  }
0xaa: {  	[dreg:$0x0] =	wrdreg $0x60  }
0xab: {  	[dreg:$0x2] =	wrdreg s22  }
0xac: {  	[dreg:$0x3] =	wrdreg $0x9  }
0xad: {  	_ =	task.clear_ibuf [dreg:s4], $0x4FFFF;
	_ =	strace $0x90000046  }
0xae: {  	s26 =	simm.s32 $0x9;
	_ =	strace $0x80000048  }
0xaf: {  	_ =	swait.ge [sflag:s26], $0x1  }
0xb0: {  	[sflag:s26] =	ssyncadd.s32 $0xFFFFFFFF  }
0xb1: {  	_ =	strace $0x90000048  }
0xb2: {  	_ =	sfence  }
0xb3: {  	s28 =	sld [smem:$0x0];
	_ =	sdelay $0x1  }
0xb4: {  	s29 =	srdreg.scid  }
0xb5: {  	s30 =	sshll.u32 s29, $0xD;
	s31 =	sshrl.u32 s29, $0x2  }
0xb6: {  	s1 =	sand.u32 $0x1, s29;
	s2 =	sand.u32 $0x4000, s30;
	s0 =	sadd.s32 s31, s28  }
0xb7: {  	s1 =	sor.u32 s2, s1;
	s0 =	sshll.u32 s0, $0x11  }
0xb8: {  	s0 =	sor.u32 s0, s1  }
0xb9: {  	s0 =	sadd.s32 $0x8F2B, s0  }
0xba: {  	[sflag:s0] =	ssyncadd.remote.s32 $0x1  }
0xbb: {  	_ =	sfence.sel $0xFFFF  }
0xbc: {  	[dreg:$0x0] =	wrdreg $0xFFFFFFFF;
	(pc) =	sbr.abs _section_cstart, $3  }
0xbd: {  	[dreg:$0x1] =	wrdreg $0xFFFFFFFF  }
0xbe: {  	_ =	task.clear_ibuf [dreg:s4], $0x2FFFF;
	_ =	strace $0x9FFFFFFF  }
0xbf: {  	(tm) =	ssettm $0x7FFFFFFF  }
tec
execute0_lowered:
.L_overlay_start_1:
0x0: {  	(tag) =	ssettag $0x1  }
0x1: {  	s0 =	stileid.u32  }
0x2: {  	s1 =	smin.u32 s0, $0x9  }
0x3: {  	s1 =	sadd.s32 s0, s1  }
0x4: {  	s2 =	simm.s32 $0x320;
	p0 =	slt.u32 s0, $0x9;
	s1 =	smul.u32 $0x190, s1  }
0x5: {  	s2 =	simm.s32 @!p0 $0x190  }
0x6: {  	s2 =	sadd.s32 s2, s1  }
0x7: {  	s3 =	smin.u32 s2, $0x2710  }
0x8: {  	s7 =	ssub.s32 s3, s1  }
0x9: {  	p0 =	sgt.s32 s7, $0x0  }
0xa: {  	s7 =	simm.s32 @!p0 $0x0  }
0xb: {  	s31 =	sand.u32 $0xFFF0, s7  }
0xc: {  	s2 =	sshrl.u32 s31, $0x4  }
0xd: {  	s2 =	smul.u32 $0xA3E, s2  }
0xe: {  	s4 =	rddreg [dreg:$0x0];
	s6 =	simm.s32 $0x1  }
0xf: {  	s10 =	simm.s32 $0x3;
	s13 =	simm.s32 $0x0;
	s8 =	sshrl.u32 s2, $0x10  }
0x10: {  	s12 =	simm.s32 $0x0;
	s5 =	sadd.s32 $0xC3600, s4;
	s9 =	smul.u32 $0x190, s8  }
.Ltmp0:
0x11: {  	s11 =	smov.u32 s1;
	s2 =	rddreg [dreg:$0x1];
	(pc) =	sbr.rel .LBB2_1-.Ltmp0, $4  }
0x12: {  	_ =	strace $0x80000047;
	p0 =	sne.s32 s7, s9;
	s9 =	simm.s32 $0x1  }
0x13: {  	[sflag:s6] =	ssyncpa.u1 $0x0;
	s7 =	simm.s32 $0x2;
	s9 =	simm.s32 @!p0 $0x0  }
0x14: {  	[sflag:s7] =	ssyncpa.u1 $0x0;
	p0 =	por $0x0, $0x0;
	s8 =	sadd.s32 s8, s9  }
0x15: {  	vm0 =	vmmov $0xff;
	vm1 =	vcmask $0x3F20;
	s9 =	sadd.s32 $0xC3C00, s4;
	[sflag:s10] =	ssyncpa.u1 $0x0;
	s10 =	sadd.s32 $0x1, s8  }
.LBB2_6:
0x16: {  	[hbm:s17] =	stream.linear.scatter [tilespmem:s14], [sflag:$0x3], $0x400, $0x38;
	[tilespmem:$0x19320] =	vst v63  }
.LBB2_7:
0x17: {  	s13 =	sadd.s32 $0x190, s11  }
0x18: {  	s15 =	smov.u32 s1;
	p2 =	slt.s32 s13, s3  }
0x19: {  	s15 =	smov.u32 @p2 s13;
	p2 =	sne.s32 s12, s10  }
.Ltmp1:
0x1a: {  	p1 =	slt.u32 s12, $0x2;
	(pc) =	sbr.rel @!p2 .LBB2_8-.Ltmp1, $4  }
0x1b: {  	s14 =	simm.s32 @!p1 $0x3  }
0x1c: {  	s16 =	sadd.s32 $0x1, s12;
	_ =	swait.ge @!p1 [sflag:s14], $0xC800  }
0x1d: {  	p0 =	por !p0, !p0;
	s13 =	smov.u32 s11;
	[sflag:s14] =	ssyncset.done @!p1 $0x0  }
0x1e: {  	s12 =	smov.u32 s16;
	s11 =	smov.u32 s15;
	[sflag:s14] =	ssyncadd.s32 @!p1 $0xFFFF3800  }
.LBB2_1:
0x1f: {  	p1 =	sge.u32 s12, s8  }
0x20: {  	s14 =	sxor.u32 @!p1 $0xFFFFFFFF, s12  }
0x21: {  	s14 =	sand.u32 @!p1 $0x1, s14  }
0x22: {  	s14 =	smul.u32 @!p1 $0x640, s14  }
0x23: {  	s31 =	sadd.s32 $0xFFFFFFFF, s12;
	s15 =	sshrl.u32 @!p1 s11, $0x3  }
0x24: {  	s16 =	sand.u32 @!p1 $0x7, s11;
	s15 =	sadd.s32 @!p1 s5, s15;
	s14 =	sshrl.u32 @!p1 s14, $0x2  }
0x25: {  	[tilespmem:s14], [sflag:$0x2] =	stream.linear.gather @!p1 [hbm4b:s15+s16], $0x190, $0x38;
	[tilespmem:$0x19320] =	vst v63  }
0x26: {  	p1 =	sge.u32 s31, s8  }
.Ltmp2:
0x27: {  	_ = 	snop;
	(pc) =	sbr.rel @p1 .LBB2_7-.Ltmp2, $1  }
0x28: {  	_ =	sdelay $0x3  }
0x29: {  	s14 =	simm.s32 $0x1  }
0x2a: {  	s14 =	simm.s32 @!p0 $0x0  }
0x2b: {  	s15 =	smul.u32 $0x640, s14  }
0x2c: {  	_ =	swait.ge [sflag:s7], $0x190  }
0x2d: {  	[sflag:s7] =	ssyncset.done $0x0;
	s16 =	sshrl.u32 s15, $0x2  }
0x2e: {  	[sflag:s7] =	ssyncadd.s32 $0xFFFFFE70;
	s15 =	sadd.s32 $0x0, s16  }
0x2f: {  	v0 =	vld.msk [tilespmem:s15+$0x0 ss:$0x1], $0xffff;
	_ =	sdelay $0x4  }
0x30: {  	vm2 =	vgt.s32 v0, $0x0  }
0x31: {  	v0 =	vnsel vm2, $0x0, v0  }
0x32: {  	v0 =	vmin.u32 v0, $0xC34F  }
0x33: {  	v0 =	vshll.u32 v0, $0x4  }
0x34: {  	s14 =	smul.u32 $0x32000, s14;
	_ =	sdelay $0x1  }
0x35: {  	s14 =	sshrl.u32 s14, $0x2  }
0x36: {  	s14 =	sor.u32 $0x320, s14  }
0x37: {  	[tilespmem:s14], [sflag:$0x1] =	stream.indirect_vreg.gather [hbm:s4], $0x80, v0, vm0, $0x38;
	[tilespmem:$0x19320] =	vst v63  }
0x38: {  	s17 =	sadd.s32 $0x10, s16;
	s15 =	sadd.s32 $0x400, s14  }
0x39: {  	[tilespmem:s15], [sflag:$0x1] =	stream.indirect_vreg.gather [hbm:s4], $0x80, v0, vm1, $0x38;
	[tilespmem:$0x19320] =	vst v63  }
0x3a: {  	s18 =	simm.s32 $0x80;
	v0 =	vld.msk [tilespmem:s17+$0x0 ss:$0x1], $0xffff;
	s17 =	smov.u32 s14  }
.LBB2_3:
0x3b: {  	p1 =	sne.s32 s18, $0x600;
	_ =	sdelay $0x4  }
0x3c: {  	vm2 =	vgt.s32 v0, $0x0  }
0x3d: {  	v0 =	vnsel vm2, $0x0, v0  }
0x3e: {  	v0 =	vmin.u32 v0, $0xC34F  }
0x3f: {  	v0 =	vshll.u32 v0, $0x4;
	_ =	sdelay $0x3  }
.Ltmp3:
0x40: {  	s19 =	sshra.s32 s18, $0x2;
	s17 =	sadd.s32 $0x800, s17;
	(pc) =	sbr.rel @p1 .LBB2_3-.Ltmp3, $4  }
0x41: {  	[tilespmem:s17], [sflag:$0x1] =	stream.indirect_vreg.gather [hbm:s4], $0x80, v0, vm0, $0x38;
	[tilespmem:$0x19320] =	vst v63  }
0x42: {  	s19 =	sadd.s32 s19, s16;
	s20 =	sadd.s32 $0x400, s17  }
0x43: {  	[tilespmem:s20], [sflag:$0x1] =	stream.indirect_vreg.gather [hbm:s4], $0x80, v0, vm1, $0x38;
	[tilespmem:$0x19320] =	vst v63  }
0x44: {  	s18 =	sadd.s32 $0x40, s18;
	v0 =	vld.msk [tilespmem:s19+$0x0 ss:$0x1], $0xffff  }
0x45: {  	_ =	sdelay $0x3  }
0x46: {  	vm2 =	vgt.s32 v0, $0x0  }
0x47: {  	v0 =	vnsel vm2, $0x0, v0  }
0x48: {  	v0 =	vmin.u32 v0, $0xC34F  }
0x49: {  	v0 =	vshll.u32 v0, $0x4;
	_ =	sdelay $0x3  }
0x4a: {  	s16 =	sadd.s32 $0x800, s17  }
0x4b: {  	[tilespmem:s16], [sflag:$0x1] =	stream.indirect_vreg.gather [hbm:s4], $0x80, v0, vm0, $0x38;
	[tilespmem:$0x19320] =	vst v63  }
0x4c: {  	s16 =	sadd.s32 $0x400, s16  }
0x4d: {  	[tilespmem:s16], [sflag:$0x1] =	stream.indirect_vreg.gather [hbm:s4], $0x80, v0, vm1, $0x38;
	[tilespmem:$0x19320] =	vst v63  }
0x4e: {  	s13 =	sshll.u32 s13, $0x4;
	_ =	swait.ge [sflag:s6], $0xC800  }
0x4f: {  	s13 =	sadd.s32 s13, s9;
	[sflag:s6] =	ssyncset.done $0x0  }
0x50: {  	s17 =	sadd.s32 $0x0, s13;
	s16 =	simm.s32 $0x80;
	[sflag:s6] =	ssyncadd.s32 $0xFFFF3800  }
.LBB2_5:
0x51: {  	[hbm:s17] =	stream.linear.scatter [tilespmem:s14], [sflag:$0x3], $0x400, $0x38;
	[tilespmem:$0x19320] =	vst v63  }
0x52: {  	s17 =	smov.u32 s16;
	s14 =	smov.u32 s15;
	p1 =	sne.s32 s16, $0x1880  }
.Ltmp4:
0x53: {  	s16 =	sadd.s32 $0x80, s16;
	(pc) =	sbr.rel @p1 .LBB2_5-.Ltmp4, $2  }
0x54: {  	_ =	sdelay $0x2  }
0x55: {  	s15 =	sadd.s32 $0x400, s15;
	s17 =	sadd.s32 s17, s13  }
.Ltmp5:
0x56: {  	_ = 	snop;
	(pc) =	sbr.rel .LBB2_6-.Ltmp5, $1  }
0x57: {  	_ =	sdelay $0x3  }
.LBB2_8:
0x58: {  	_ =	sfence.sel $0x180000  }
0x59: {  	s1 =	simm.s32 $0x2;
	[bflag:$0x0] =	sbarrier.arrive $0xFFFF  }
0x5a: {  	s30 =	simm.s32 $0x3;
	[sflag:s1] =	ssyncpa.u1 $0x1  }
0x5b: {  	s31 =	simm.s32 $0x1;
	[sflag:s30] =	ssyncpa.u1 $0x1  }
0x5c: {  	[sflag:s31] =	ssyncpa.u1 $0x1  }
0x5d: {  	p0 =	sne.s32 s0, $0x0;
	_ =	strace $0x90000047  }
0x5e: {  	s0 =	sadd.s32 @!p0 $0x100000, s2;
	[bflag:$0x2] =	sbarrier.arrive $0xFFFF  }
0x5f: {  	[sflag:s0] =	ssyncadd.tile.s32 @!p0 $0x1;
	_ =	shalt  }
.Lfunc_end2:
_tile_overlayer_lowered:
.L_overlay_start_2:
0x60: {  	(tag) =	ssettag $0x2  }
0x61: {  	s0 =	rddreg [dreg:$0x0];
	s2 =	stileid.u32  }
0x62: {  	s1 =	rddreg [dreg:$0x1];
	p0 =	sne.s32 s2, $0x0  }
0x63: {  	s3 =	rddreg [dreg:$0x2];
	[bflag:$0x3] =	sbarrier.arrive $0xFFFF;
	s2 =	simm.s32 @!p0 $0x1C01  }
0x64: {  	[timem:s3], [sflag:s2] =	dma.local @!p0 [hbm:s0], s1  }
0x65: {  	s0 =	simm.s32 @!p0 $0x1  }
0x66: {  	_ =	swait.ge @!p0 [sflag:s0], s1  }
0x67: {  	s1 =	ssub.s32 @!p0 $0x0, s1;
	[sflag:s0] =	ssyncset.done @!p0 $0x0  }
0x68: {  	[sflag:s0] =	ssyncadd.s32 @!p0 s1  }
0x69: {  	[bflag:$0x3] =	sbarrier.arrive $0xFFFF  }
0x6a: {  	_ =	shalt  }

</sc_bundles>
